<compile_context>
chip_gen: v7x
topology: tpu7x:2x2x1
jax: 0.10.2.dev20260603
libtpu: 0.0.44.dev20260713+nightly
codegen_flags: <defaults>
</compile_context>

<pallas_src>
import functools

import jax
import jax.numpy as jnp
from jax import lax
from jax.experimental import pallas as pl
from jax.experimental.pallas import tpu as pltpu
from jax.experimental.pallas import tpu_sc as plsc

N_FIELDS = 26
VOCAB_P1 = 100001
EMBED_DIM = 64
BATCH = 4096

NUM_CORES = 2
NUM_SUBCORES = 16
NW = NUM_CORES * NUM_SUBCORES

ROWS = N_FIELDS * EMBED_DIM
RPW = ROWS // NW
NV = BATCH // 16


@functools.partial(
    pl.kernel,
    out_type=jax.ShapeDtypeStruct((ROWS, BATCH), jnp.float32),
    mesh=plsc.VectorSubcoreMesh(core_axis_name="c", subcore_axis_name="s"),
    scratch_types=[
        pltpu.VMEM((1, VOCAB_P1), jnp.float32),
        pltpu.VMEM((BATCH,), jnp.int32),
        pltpu.VMEM((1, BATCH), jnp.float32),
    ],
    compiler_params=pltpu.CompilerParams(needs_layout_passes=False),
)
def _gather(tab_hbm, idx_hbm, out_hbm, slab, idxv, orow):
    wid = lax.axis_index("s") * NUM_CORES + lax.axis_index("c")

    def do_row(j):
        g = wid + NW * j
        f = g // EMBED_DIM
        pltpu.sync_copy(tab_hbm.at[pl.ds(g, 1)], slab)
        pltpu.sync_copy(idx_hbm.at[pl.ds(f * BATCH, BATCH)], idxv)

        zeros = lax.iota(jnp.int32, 16) * 0

        def gath(v):
            rvec = idxv[pl.ds(v * 16, 16)]
            orow[0, pl.ds(v * 16, 16)] = plsc.load_gather(
                slab, [zeros, rvec])
        pl.loop(0, NV)(gath)

        pltpu.sync_copy(orow, out_hbm.at[pl.ds(g, 1)])

    pl.loop(0, RPW)(do_row)


def kernel(x, tables):
    tt2 = tables.transpose(0, 2, 1).reshape(ROWS, VOCAB_P1)
    idx = x.astype(jnp.int32).T.reshape(N_FIELDS * BATCH)
    out2 = _gather(tt2, idx)
    return out2.reshape(N_FIELDS, EMBED_DIM, BATCH).transpose(2, 0, 1)

# --- scband reference (transcript-rebuilt; emitter-appended) ---
"""Pipeline reference for scband-embedding-layer-19980187861832 (READ-ONLY COPY).

The authoritative reference and input builder live on the scoring server;
editing this copy changes nothing except your own understanding.
"""

import jax, jax.numpy as jnp
import numpy as np

N_FIELDS = 26
VOCAB = 100000
EMBED_DIM = 64
BATCH = 4096

def setup_inputs(seed: int = 0) -> dict:
    key = jax.random.key(seed)
    k_x, k_t = jax.random.split(key)
    x = jax.random.randint(k_x, (BATCH, N_FIELDS), 0, VOCAB, dtype=jnp.int64 if jax.config.jax_enable_x64 else jnp.int32)
    # one embedding table per field, each (VOCAB + 1, EMBED_DIM); padding_idx=0 row zeroed at init
    tables = jax.random.normal(k_t, (N_FIELDS, VOCAB + 1, EMBED_DIM), dtype=jnp.float32)
    tables = tables.at[:, 0, :].set(0.0)  # nn.Embedding padding_idx=0 init behavior
    return {"x": x, "tables": tables}

def reference(x, tables):
    # Faithful to: stack([self.embeddings[col](x[:, i]) for i, col ...], dim=1)
    embeds = [tables[i][x[:, i]] for i in range(N_FIELDS)]
    return jnp.stack(embeds, axis=1)  # [B, n_fields, embed_dim]

if __name__ == "__main__":
    import jax
    _d = setup_inputs()
    print(jax.jit(kernel)(*tuple(_d.values())))

</pallas_src>

<mosaic_0001>
#map = affine_map<(d0, d1) -> (0, 0)>
#map1 = affine_map<(d0, d1) -> (0)>
module attributes {stable_mosaic.version = 14 : i64} {
  func.func @_gather(%arg0: i32, %arg1: i32, %arg2: memref<1664x100001xf32, #tpu.memory_space<hbm>>, %arg3: memref<106496xi32, #tpu.memory_space<hbm>>, %arg4: memref<1664x4096xf32, #tpu.memory_space<hbm>>, %arg5: memref<1x100001xf32, #tpu.memory_space<vmem>>, %arg6: memref<4096xi32, #tpu.memory_space<vmem>>, %arg7: memref<1x4096xf32, #tpu.memory_space<vmem>>) attributes {dimension_semantics = [#tpu.dimension_semantics<core_parallel>, #tpu.dimension_semantics<subcore_parallel>], iteration_bounds = array<i64: 2, 16>, scalar_prefetch = 0 : i64, scratch_operands = 3 : i64, tpu.core_type = #tpu.core_type<sc_vector_subcore>, window_params = [{transform_indices = #map}, {transform_indices = #map1}, {transform_indices = #map}]} {
    %mul3A = arith.constant 2 : i32
    %mul3A_0 = arith.muli %arg1, %mul3A : i32
    %add3A = arith.addi %mul3A_0, %arg0 : i32
    %scan3A = arith.constant 0 : i32
    %scan3A_1 = arith.constant 52 : i32
    %scan3A_2 = arith.addi %scan3A, %scan3A_1 : i32
    %scan3A_3 = arith.constant 1 : i32
    scf.for %scan3A_5 = %scan3A to %scan3A_2 step %scan3A_3  : i32 {
      %mul3A_6 = arith.constant 1 : i32
      %mul3A_7 = arith.muli %scan3A_5, %mul3A_6 : i32
      %add3A_8 = arith.constant 0 : i32
      %add3A_9 = arith.addi %add3A_8, %mul3A_7 : i32
      %mul3A_10 = arith.constant 32 : i32
      %mul3A_11 = arith.muli %mul3A_10, %add3A_9 : i32
      %add3A_12 = arith.addi %add3A, %mul3A_11 : i32
      %jit3A = arith.constant 64 : i32
      %div3A = arith.divsi %add3A_12, %jit3A : i32
      %sign3A = arith.constant 0 : i32
      %sign3A_13 = arith.cmpi sgt, %add3A_12, %sign3A : i32
      %sign3A_14 = arith.extui %sign3A_13 : i1 to i32
      %sign3A_15 = arith.constant 0 : i32
      %sign3A_16 = arith.cmpi slt, %add3A_12, %sign3A_15 : i32
      %sign3A_17 = arith.extui %sign3A_16 : i1 to i32
      %sign3A_18 = arith.subi %sign3A_14, %sign3A_17 : i32
      %sign3A_19 = arith.constant 0 : i32
      %sign3A_20 = arith.cmpi sgt, %jit3A, %sign3A_19 : i32
      %sign3A_21 = arith.extui %sign3A_20 : i1 to i32
      %sign3A_22 = arith.constant 0 : i32
      %sign3A_23 = arith.cmpi slt, %jit3A, %sign3A_22 : i32
      %sign3A_24 = arith.extui %sign3A_23 : i1 to i32
      %sign3A_25 = arith.subi %sign3A_21, %sign3A_24 : i32
      %ne3A = arith.cmpi ne, %sign3A_18, %sign3A_25 : i32
      %rem3A = arith.remsi %add3A_12, %jit3A : i32
      %ne3A_26 = arith.constant 0 : i32
      %ne3A_27 = arith.cmpi ne, %rem3A, %ne3A_26 : i32
      %and3A = arith.andi %ne3A, %ne3A_27 : i1
      %sub3A = arith.constant 1 : i32
      %sub3A_28 = arith.subi %div3A, %sub3A : i32
      %select_n3A = arith.select %and3A, %sub3A_28, %div3A : i32
      "tpu.region"() ({
        %run_scoped3A = tpu.sem_alloc : memref<!tpu.dma_semaphore, #tpu.memory_space<semaphore_mem>>
        %dma_start3A = arith.constant 0 : i32
        %dma_start3A_39 = tpu.memref_slice %arg2[%add3A_12, %dma_start3A] : memref<1664x100001xf32, #tpu.memory_space<hbm>> -> memref<1x100001xf32, #tpu.memory_space<hbm>>
        %dma_start3A_40 = arith.constant 0 : i32
        %dma_start3A_41 = tpu.memref_slice %arg2[%add3A_12, %dma_start3A_40] : memref<1664x100001xf32, #tpu.memory_space<hbm>> -> memref<1x100001xf32, #tpu.memory_space<hbm>>
        tpu.enqueue_dma source(%dma_start3A_41 : memref<1x100001xf32, #tpu.memory_space<hbm>>) target(%arg5 : memref<1x100001xf32, #tpu.memory_space<vmem>>) target_semaphore(%run_scoped3A : memref<!tpu.dma_semaphore, #tpu.memory_space<semaphore_mem>>)
        %dma_wait3A = arith.constant 0 : i32
        %dma_wait3A_42 = tpu.memref_slice %arg2[%add3A_12, %dma_wait3A] : memref<1664x100001xf32, #tpu.memory_space<hbm>> -> memref<1x100001xf32, #tpu.memory_space<hbm>>
        %dma_wait3A_43 = arith.constant 0 : i32
        %dma_wait3A_44 = tpu.memref_slice %arg2[%add3A_12, %dma_wait3A_43] : memref<1664x100001xf32, #tpu.memory_space<hbm>> -> memref<1x100001xf32, #tpu.memory_space<hbm>>
        tpu.wait_dma2 semaphore(%run_scoped3A : memref<!tpu.dma_semaphore, #tpu.memory_space<semaphore_mem>>) src(%dma_wait3A_44 : memref<1x100001xf32, #tpu.memory_space<hbm>>) dst(%arg5 : memref<1x100001xf32, #tpu.memory_space<vmem>>)
        tpu.yield
      }) : () -> ()
      %mul3A_29 = arith.constant 4096 : i32
      %mul3A_30 = arith.muli %select_n3A, %mul3A_29 : i32
      "tpu.region"() ({
        %run_scoped3A = tpu.sem_alloc : memref<!tpu.dma_semaphore, #tpu.memory_space<semaphore_mem>>
        %dma_start3A = tpu.memref_slice %arg3[%mul3A_30] : memref<106496xi32, #tpu.memory_space<hbm>> -> memref<4096xi32, #tpu.memory_space<hbm>>
        %dma_start3A_39 = tpu.memref_slice %arg3[%mul3A_30] : memref<106496xi32, #tpu.memory_space<hbm>> -> memref<4096xi32, #tpu.memory_space<hbm>>
        tpu.enqueue_dma source(%dma_start3A_39 : memref<4096xi32, #tpu.memory_space<hbm>>) target(%arg6 : memref<4096xi32, #tpu.memory_space<vmem>>) target_semaphore(%run_scoped3A : memref<!tpu.dma_semaphore, #tpu.memory_space<semaphore_mem>>)
        %dma_wait3A = tpu.memref_slice %arg3[%mul3A_30] : memref<106496xi32, #tpu.memory_space<hbm>> -> memref<4096xi32, #tpu.memory_space<hbm>>
        %dma_wait3A_40 = tpu.memref_slice %arg3[%mul3A_30] : memref<106496xi32, #tpu.memory_space<hbm>> -> memref<4096xi32, #tpu.memory_space<hbm>>
        tpu.wait_dma2 semaphore(%run_scoped3A : memref<!tpu.dma_semaphore, #tpu.memory_space<semaphore_mem>>) src(%dma_wait3A_40 : memref<4096xi32, #tpu.memory_space<hbm>>) dst(%arg6 : memref<4096xi32, #tpu.memory_space<vmem>>)
        tpu.yield
      }) : () -> ()
      %iota3A = tpu.iota {dimensions = array<i32: 0>} : vector<16xi32>
      %mul3A_31 = arith.constant 0 : i32
      %mul3A_32 = vector.broadcast %mul3A_31 : i32 to vector<16xi32>
      %mul3A_33 = arith.muli %iota3A, %mul3A_32 : vector<16xi32>
      %scan3A_34 = arith.constant 0 : i32
      %scan3A_35 = arith.constant 256 : i32
      %scan3A_36 = arith.addi %scan3A_34, %scan3A_35 : i32
      %scan3A_37 = arith.constant 1 : i32
      scf.for %scan3A_39 = %scan3A_34 to %scan3A_36 step %scan3A_37  : i32 {
        %mul3A_40 = arith.constant 1 : i32
        %mul3A_41 = arith.muli %scan3A_39, %mul3A_40 : i32
        %add3A_42 = arith.constant 0 : i32
        %add3A_43 = arith.addi %add3A_42, %mul3A_41 : i32
        %mul3A_44 = arith.constant 16 : i32
        %mul3A_45 = arith.muli %add3A_43, %mul3A_44 : i32
        %get3A = arith.index_cast %mul3A_45 : i32 to index
        %get3A_46 = tpu.vector_load %arg6[%get3A] {strides = array<i32>} : memref<4096xi32, #tpu.memory_space<vmem>>, vector<16xi32>,
        %gather3A = tpu.vector_load_idx %arg5[%mul3A_33, %get3A_46] : memref<1x100001xf32, #tpu.memory_space<vmem>>[vector<16xi32>, vector<16xi32>], vector<16xf32>,
        %mul3A_47 = arith.constant 16 : i32
        %mul3A_48 = arith.muli %add3A_43, %mul3A_47 : i32
        %swap3A = arith.constant 0 : i32
        %swap3A_49 = arith.index_cast %swap3A : i32 to index
        %swap3A_50 = arith.index_cast %mul3A_48 : i32 to index
        %swap3A_51 = tpu.vector_load %arg7[%swap3A_49, %swap3A_50] {strides = array<i32>} : memref<1x4096xf32, #tpu.memory_space<vmem>>, vector<16xf32>,
        tpu.vector_store %arg7[%swap3A_49, %swap3A_50], %gather3A {strides = array<i32>} : memref<1x4096xf32, #tpu.memory_space<vmem>>, vector<16xf32>,
      }
      %scan3A_38 = arith.constant 256 : i32
      "tpu.region"() ({
        %run_scoped3A = tpu.sem_alloc : memref<!tpu.dma_semaphore, #tpu.memory_space<semaphore_mem>>
        %dma_start3A = arith.constant 0 : i32
        %dma_start3A_39 = tpu.memref_slice %arg4[%add3A_12, %dma_start3A] : memref<1664x4096xf32, #tpu.memory_space<hbm>> -> memref<1x4096xf32, #tpu.memory_space<hbm>>
        %dma_start3A_40 = arith.constant 0 : i32
        %dma_start3A_41 = tpu.memref_slice %arg4[%add3A_12, %dma_start3A_40] : memref<1664x4096xf32, #tpu.memory_space<hbm>> -> memref<1x4096xf32, #tpu.memory_space<hbm>>
        tpu.enqueue_dma source(%arg7 : memref<1x4096xf32, #tpu.memory_space<vmem>>) target(%dma_start3A_41 : memref<1x4096xf32, #tpu.memory_space<hbm>>) target_semaphore(%run_scoped3A : memref<!tpu.dma_semaphore, #tpu.memory_space<semaphore_mem>>)
        %dma_wait3A = arith.constant 0 : i32
        %dma_wait3A_42 = tpu.memref_slice %arg4[%add3A_12, %dma_wait3A] : memref<1664x4096xf32, #tpu.memory_space<hbm>> -> memref<1x4096xf32, #tpu.memory_space<hbm>>
        %dma_wait3A_43 = arith.constant 0 : i32
        %dma_wait3A_44 = tpu.memref_slice %arg4[%add3A_12, %dma_wait3A_43] : memref<1664x4096xf32, #tpu.memory_space<hbm>> -> memref<1x4096xf32, #tpu.memory_space<hbm>>
        tpu.wait_dma2 semaphore(%run_scoped3A : memref<!tpu.dma_semaphore, #tpu.memory_space<semaphore_mem>>) src(%arg7 : memref<1x4096xf32, #tpu.memory_space<vmem>>) dst(%dma_wait3A_44 : memref<1x4096xf32, #tpu.memory_space<hbm>>)
        tpu.yield
      }) : () -> ()
    }
    %scan3A_4 = arith.constant 52 : i32
    return
  }
}

</mosaic_0001>

<sc_bundles>
// kernel: kernel.3.cloned.1.call-start
scs
__scs_entry_jumppad:
0x0: {  	(pc) =	sbr.rel $0x88, $3  }
0x1: {  	(tag) =	ssettag $0x0;
	lr =	simm.s32 $0x1  }
0x2: {  	[smem:$0x3F9F] =	sst lr;
	_ =	strace $0xD0000000  }
0x3: {  	_ = 	snop  }
0x4: {  	_ = 	snop  }
0x5: {  	_ = 	snop  }
0x6: {  	_ = 	snop  }
0x7: {  	_ = 	snop  }
__scs_overlays_trampoline_lowered:
0x8: {  	[smem:$0x3FAE] =	sst s0  }
0x9: {  	[smem:$0x3FAF] =	sst s1  }
0xa: {  	[smem:$0x3FB0] =	sst s2  }
0xb: {  	[smem:$0x3FB1] =	sst s3  }
0xc: {  	[smem:$0x3FB2] =	sst s4  }
0xd: {  	[smem:$0x3FB3] =	sst s5  }
0xe: {  	[smem:$0x3FB4] =	sst s6  }
0xf: {  	[smem:$0x3FB5] =	sst s7  }
0x10: {  	[smem:$0x3FB6] =	sst s8  }
0x11: {  	[smem:$0x3FB7] =	sst s9;
	s0 =	simm.s32 @!p0 $0x0  }
0x12: {  	s1 =	sld [smem:$0x3F9D];
	s0 =	simm.s32 @p0 $0x1  }
0x13: {  	[smem:$0x3FB8] =	sst s0;
	s0 =	simm.s32 @!p1 $0x0  }
0x14: {  	s2 =	sld [smem:$0x3F9C];
	s0 =	simm.s32 @p1 $0x1  }
0x15: {  	[smem:$0x3FB9] =	sst s0;
	s0 =	simm.s32 @!p2 $0x0  }
0x16: {  	s3 =	sld [smem:$0x3FDB];
	s0 =	simm.s32 @p2 $0x1  }
0x17: {  	s4 =	simm.s32 $0x1BF5;
	[smem:$0x3FBB] =	sst s0  }
0x18: {  	s0 =	sld [smem:$0x3F9E];
	_ =	swait.ge [sflag:s4], $0x0  }
0x19: {  	s7 =	sld [smem:$0x3F9F]  }
0x1a: {  	s8 =	sadd.s32 $0xFFFFE003, lr  }
0x1b: {  	s9 =	sadd.s32 $0xFFFFFEF7, lr;
	s5 =	simm.s32 $0xFFFFFFFF;
	p2 =	slt.u32 s8, $0xFFFFF086  }
0x1c: {  	p1 =	slt.u32 s9, $0xF7A;
	s5 =	simm.s32 @!p2 $0x0  }
0x1d: {  	s5 =	simm.s32 @p1 $0x1;
	p0 =	seq.s32 s7, s2  }
0x1e: {  	s7 =	smul.u32 @!p0 $0xF7A, s2;
	p2 =	seq.s32 @!p0 s5, $0x0  }
0x1f: {  	s9 =	smul.u32 $0xF7A, s1;
	s8 =	simm.s32 @!p0 $0x1BF5;
	p2 =	por !p2, p0  }
0x20: {  	[sflag:s8] =	ssyncset.s32 @!p0 $0xFFFFF086;
	s6 =	sadd.s32 @!p0 s3, s7;
	s7 =	simm.s32 @!p0 $0x108  }
0x21: {  	s3 =	sadd.s32 s3, s9;
	s6 =	sadd.s32 @!p0 $0x88, s6;
	s7 =	simm.s32 @p2 $0x1082  }
0x22: {  	[simem:s7], [sflag:s8] =	dma.local @!p0 [hbm:s6], $0xF7A  }
0x23: {  	s9 =	sor.u32 $0xD0000000, s2;
	s6 =	simm.s32 $0x108;
	_ =	swait.ge @!p0 [sflag:s8], $0x0  }
0x24: {  	s3 =	sadd.s32 $0x88, s3;
	s6 =	simm.s32 @!p1 $0x1082;
	[sflag:s4] =	ssyncset.s32 $0xFFFFF086  }
0x25: {  	[simem:s6], [sflag:s4] =	dma.local [hbm:s3], $0xF7A  }
0x26: {  	[smem:$0x3F9F] =	sst s1;
	(tag) =	ssettag s2;
	_ =	strace s9  }
0x27: {  	s1 =	sld [smem:$0x3FAF]  }
0x28: {  	s2 =	sld [smem:$0x3FB0]  }
0x29: {  	s4 =	sld [smem:$0x3FB2]  }
0x2a: {  	p0 =	seq.s32 s5, $0x0;
	s5 =	sld [smem:$0x3FB3]  }
0x2b: {  	s6 =	sld [smem:$0x3FB4]  }
0x2c: {  	s7 =	sld [smem:$0x3FB5]  }
0x2d: {  	s3 =	simm.s32 $0x108;
	s8 =	sld [smem:$0x3FB6]  }
0x2e: {  	s3 =	simm.s32 @!p0 $0x1082;
	s9 =	sld [smem:$0x3FB7]  }
0x2f: {  	lr =	sadd.s32 s0, s3;
	s0 =	sld [smem:$0x3FAE]  }
0x30: {  	s3 =	sld [smem:$0x3FB1]  }
0x31: {  	[smem:$0x3FBA] =	sst s10  }
0x32: {  	s10 =	sld [smem:$0x3FB8];
	_ =	sdelay $0x3  }
0x33: {  	p0 =	seq.s32 s10, $0x1;
	s10 =	sld [smem:$0x3FBA];
	_ =	sdelay $0x3  }
0x34: {  	[smem:$0x3FBA] =	sst s10  }
0x35: {  	s10 =	sld [smem:$0x3FB9];
	_ =	sdelay $0x3  }
0x36: {  	p1 =	seq.s32 s10, $0x1;
	s10 =	sld [smem:$0x3FBA];
	_ =	sdelay $0x3  }
0x37: {  	[smem:$0x3FBA] =	sst s10  }
0x38: {  	s10 =	sld [smem:$0x3FBB]  }
0x39: {  	_ = 	snop;
	(pc) =	sbr.ind lr, $3  }
0x3a: {  	_ = 	snop  }
0x3b: {  	_ = 	snop  }
0x3c: {  	p2 =	seq.s32 s10, $0x1;
	s10 =	sld [smem:$0x3FBA]  }
0x3d: {  	_ =	shalt  }
0x3e: {  	_ =	shalt  }
0x3f: {  	_ =	shalt  }
0x40: {  	_ =	shalt  }
0x41: {  	_ =	shalt  }
0x42: {  	_ =	shalt  }
0x43: {  	_ =	shalt  }
0x44: {  	_ =	shalt  }
0x45: {  	_ =	shalt  }
0x46: {  	_ =	shalt  }
0x47: {  	_ =	shalt  }
0x48: {  	_ =	shalt  }
0x49: {  	_ =	shalt  }
0x4a: {  	_ =	shalt  }
0x4b: {  	_ =	shalt  }
0x4c: {  	_ =	shalt  }
0x4d: {  	_ =	shalt  }
0x4e: {  	_ =	shalt  }
0x4f: {  	_ =	shalt  }
0x50: {  	_ =	shalt  }
0x51: {  	_ =	shalt  }
0x52: {  	_ =	shalt  }
0x53: {  	_ =	shalt  }
0x54: {  	_ =	shalt  }
0x55: {  	_ =	shalt  }
0x56: {  	_ =	shalt  }
0x57: {  	_ =	shalt  }
0x58: {  	_ =	shalt  }
0x59: {  	_ =	shalt  }
0x5a: {  	_ =	shalt  }
0x5b: {  	_ =	shalt  }
0x5c: {  	_ =	shalt  }
0x5d: {  	_ =	shalt  }
0x5e: {  	_ =	shalt  }
0x5f: {  	_ =	shalt  }
0x60: {  	_ =	shalt  }
0x61: {  	_ =	shalt  }
0x62: {  	_ =	shalt  }
0x63: {  	_ =	shalt  }
0x64: {  	_ =	shalt  }
0x65: {  	_ =	shalt  }
0x66: {  	_ =	shalt  }
0x67: {  	_ =	shalt  }
0x68: {  	_ =	shalt  }
0x69: {  	_ =	shalt  }
0x6a: {  	_ =	shalt  }
0x6b: {  	_ =	shalt  }
0x6c: {  	_ =	shalt  }
0x6d: {  	_ =	shalt  }
0x6e: {  	_ =	shalt  }
0x6f: {  	_ =	shalt  }
0x70: {  	_ =	shalt  }
0x71: {  	_ =	shalt  }
0x72: {  	_ =	shalt  }
0x73: {  	_ =	shalt  }
0x74: {  	_ =	shalt  }
0x75: {  	_ =	shalt  }
0x76: {  	_ =	shalt  }
0x77: {  	_ =	shalt  }
0x78: {  	_ =	shalt  }
0x79: {  	_ =	shalt  }
0x7a: {  	_ =	shalt  }
0x7b: {  	_ =	shalt  }
0x7c: {  	_ =	shalt  }
0x7d: {  	_ =	shalt  }
0x7e: {  	_ =	shalt  }
0x7f: {  	_ =	shalt  }
0x80: {  	_ =	shalt  }
0x81: {  	_ =	shalt  }
0x82: {  	_ =	shalt  }
0x83: {  	_ =	shalt  }
0x84: {  	_ =	shalt  }
0x85: {  	_ =	shalt  }
0x86: {  	_ =	shalt  }
0x87: {  	_ =	shalt  }
.Lfunc_end0:
.L_simem_size_0:
called_computation_lowered:
.L_overlay_start_0:
0x88: {  	s2 =	sld [smem:$0x3FD9]  }
0x89: {  	s3 =	sld [smem:$0x3FFE];
	_ =	sdelay $0x1  }
0x8a: {  	s1 =	srdreg.scid  }
0x8b: {  	s0 =	sand.u32 $0x1, s1  }
0x8c: {  	s17 =	sshll.u32 s0, $0xA;
	s2 =	sadd.s32 s3, s2  }
0x8d: {  	s2 =	sadd.s32 s2, s17  }
0x8e: {  	[smem:$0x3FC6] =	sst s2  }
0x8f: {  	_ = 	snop  }
0x90: {  	s2 =	sld [smem:$0x3FC8]  }
0x91: {  	s18 =	sld [smem:$0x3FD0];
	(tm) =	ssettm $0x1  }
0x92: {  	s4 =	sld [smem:$0x3FFB];
	_ =	sdelay $0x3  }
0x93: {  	_ =	strace s4  }
0x94: {  	s4 =	sld [smem:$0x3FFC];
	_ =	sdelay $0x3  }
0x95: {  	_ =	strace s4  }
0x96: {  	s4 =	sld [smem:$0x3FFD];
	_ =	sdelay $0x3  }
0x97: {  	_ =	strace s4  }
0x98: {  	_ =	strace $0x8FFFFFFF  }
0x99: {  	s19 =	sld [smem:$0x3FDB];
	_ =	sdelay $0x1  }
0x9a: {  	s5 =	simm.s32 $_scs_section_size  }
0x9b: {  	s6 =	simm.s32 $_size__tile_overlayer_lowered;
	s7 =	simm.s32 $_tile_overlayer_lowered  }
0x9c: {  	s22 =	simm.s32 $0x1BFF;
	s21 =	sshll.u32 s7, $0x1;
	s4 =	sadd.s32 s5, s19  }
0x9d: {  	s8 =	simm.s32 $0x0;
	s20 =	sshll.u32 s6, $0x1;
	s6 =	sadd.s32 s21, s4  }
0x9e: {  	[timem:s8], [sflag:s22] =	dma.local [hbm:s6], s20  }
0x9f: {  	_ =	swait.ge [sflag:s22], s20  }
0xa0: {  	s5 =	ssub.s32 $0x0, s20;
	[sflag:s22] =	ssyncset.done $0x0  }
0xa1: {  	[sflag:s22] =	ssyncadd.s32 s5;
	_ =	sdelay $0x1  }
0xa2: {  	s23 =	simm.s32 $0x1B8B  }
0xa3: {  	_ =	swait.ge [sflag:s23], $0x1  }
0xa4: {  	[sflag:s23] =	ssyncset.done $0x0  }
0xa5: {  	s25 =	simm.s32 $0x1B8E;
	s24 =	sld [smem:$0x3FFE];
	[sflag:s23] =	ssyncadd.s32 $0xFFFFFFFF  }
0xa6: {  	s26 =	simm.s32 $execute0_lowered;
	[smem:$0x3FD2] =	sst s25  }
0xa7: {  	s6 =	sshll.u32 s26, $0x1;
	_ =	strace $0x80000046;
	[dreg:$0x1] =	wrdreg $0xFFFFFFFF  }
0xa8: {  	s28 =	simm.s32 $_size_execute0_lowered;
	s4 =	sadd.s32 s4, s6;
	[dreg:$0x0] =	wrdreg $0x0  }
0xa9: {  	s6 =	sshll.u32 s28, $0x1;
	[dreg:$0x2] =	wrdreg s4  }
0xaa: {  	[dreg:$0x3] =	wrdreg s6  }
0xab: {  	[dreg:$0x4] =	wrdreg $0xC0  }
0xac: {  	_ =	task [dreg:s8], $0x5FFFF  }
0xad: {  	[dreg:$0x1] =	wrdreg $0xFFFFFFFF  }
0xae: {  	[dreg:$0x0] =	wrdreg $0x60  }
0xaf: {  	[dreg:$0x2] =	wrdreg s2  }
0xb0: {  	[dreg:$0x3] =	wrdreg s24  }
0xb1: {  	[dreg:$0x4] =	wrdreg s18  }
0xb2: {  	[dreg:$0x5] =	wrdreg $0x9  }
0xb3: {  	_ =	task.clear_ibuf [dreg:s8], $0x6FFFF;
	_ =	strace $0x90000046  }
0xb4: {  	s29 =	simm.s32 $0x9;
	_ =	strace $0x80000048  }
0xb5: {  	_ =	swait.ge [sflag:s29], $0x1  }
0xb6: {  	[sflag:s29] =	ssyncadd.s32 $0xFFFFFFFF  }
0xb7: {  	_ =	strace $0x90000048  }
0xb8: {  	_ =	sfence  }
0xb9: {  	s30 =	sld [smem:$0x0];
	_ =	sdelay $0x2  }
0xba: {  	s31 =	sshll.u32 s1, $0xD;
	s1 =	sshrl.u32 s1, $0x2  }
0xbb: {  	s3 =	sand.u32 $0x4000, s31;
	s1 =	sadd.s32 s1, s30  }
0xbc: {  	s0 =	sor.u32 s3, s0;
	s1 =	sshll.u32 s1, $0x11  }
0xbd: {  	s0 =	sor.u32 s1, s0  }
0xbe: {  	s0 =	sadd.s32 $0x8F2B, s0  }
0xbf: {  	[sflag:s0] =	ssyncadd.remote.s32 $0x1  }
0xc0: {  	_ =	sfence.sel $0xFFFF  }
0xc1: {  	[dreg:$0x0] =	wrdreg $0xFFFFFFFF;
	(pc) =	sbr.abs _section_cstart, $3  }
0xc2: {  	[dreg:$0x1] =	wrdreg $0xFFFFFFFF  }
0xc3: {  	_ =	task.clear_ibuf [dreg:s8], $0x2FFFF;
	_ =	strace $0x9FFFFFFF  }
0xc4: {  	(tm) =	ssettm $0x7FFFFFFF  }
0xc5: {  	_ =	shalt  }
tec
execute0_lowered:
.L_overlay_start_1:
0x0: {  	(tag) =	ssettag $0x1  }
0x1: {  	s1 =	rddreg [dreg:$0x0]  }
0x2: {  	s6 =	rddreg [dreg:$0x1]  }
0x3: {  	s3 =	rddreg [dreg:$0x2];
	s4 =	srdreg.scid  }
0x4: {  	s0 =	rddreg [dreg:$0x3];
	s2 =	stileid.u32;
	s10 =	simm.s32 $0x400  }
0x5: {  	s11 =	simm.s32 $0x1;
	s12 =	simm.s32 $0x18700;
	s13 =	simm.s32 $0x19700  }
0x6: {  	s14 =	simm.s32 $0x0;
	s7 =	sand.u32 $0x1, s4;
	s4 =	simm.s32 $0x0  }
0x7: {  	s5 =	sshll.u32 s2, $0x1;
	s6 =	sadd.s32 $0x400, s6;
	s8 =	ssub.s32 $0x2, s7  }
0x8: {  	[smem:$0x7FF] =	sst s4;
	s7 =	sor.u32 s7, s5;
	s9 =	sshrl.u32 s8, $0x1  }
0x9: {  	_ =	strace $0x80000047;
	s7 =	sshll.u32 s7, $0x7;
	s8 =	ssub.s32 s8, s9  }
0xa: {  	s7 =	sand.u32 $0x380, s7;
	s9 =	simm.s32 $0x80;
	s8 =	smax.u32 s8, $0x1  }
.LBB2_1:
0xb: {  	s15 =	simm.s32 $0x0  }
.LBB2_2:
0xc: {  	s16 =	sshll.u32 s15, $0x5  }
0xd: {  	s16 =	sor.u32 s5, s16  }
0xe: {  	s16 =	sshrl.u32 s16, $0x3  }
0xf: {  	s17 =	smul.u32 $0xC3800, s16;
	_ =	sdelay $0x1  }
0x10: {  	s17 =	sor.u32 s7, s17  }
0x11: {  	s17 =	sshrl.u32 s17, $0x3  }
0x12: {  	s18 =	simm.s32 $0x0;
	s17 =	sadd.s32 s1, s17  }
0x13: {  	[tilespmem:s18], [sflag:$0x1] =	stream.strided.gather [hbm4b:s17+s9], $0x18700, s10, s9, $0x38;
	[tilespmem:$0x1A700] =	vst v63  }
0x14: {  	s31 =	sshll.u32 s15, $0x8;
	_ =	swait.ge [sflag:s11], $0x18700  }
0x15: {  	s17 =	sand.u32 $0x3E00, s31;
	[sflag:s11] =	ssyncset.done $0x0  }
0x16: {  	s17 =	sadd.s32 s6, s17;
	[sflag:s11] =	ssyncadd.s32 $0xFFFE7900  }
0x17: {  	[tilespmem:s12], [sflag:$0x1] =	stream.linear.gather [hbm4b:s17+s18], $0x1000, $0x38;
	[tilespmem:$0x1A700] =	vst v63  }
0x18: {  	_ =	swait.ge [sflag:s11], $0x1000  }
0x19: {  	[sflag:s11] =	ssyncset.done $0x0  }
0x1a: {  	s17 =	simm.s32 $0x0;
	[sflag:s11] =	ssyncadd.s32 $0xFFFFF000  }
0x1b: {  	v0 =	vld [tilespmem:s17+$0x18700];
	_ =	sdelay $0x7  }
0x1c: {  	s19 =	simm.s32 $0x80;
	s18 =	simm.s32 $0x10;
	v0 =	vld.idx.msk [tilespmem:v0+s4+$0x0], $0xffff  }
.LBB2_3:
0x1d: {  	p0 =	sne.s32 s19, $0x3FC0;
	v1 =	vld [tilespmem:s18+$0x18700];
	_ =	sdelay $0x3  }
.Ltmp0:
0x1e: {  	(pc) =	sbr.rel @p0 .LBB2_3-.Ltmp0, $2  }
0x1f: {  	[tilespmem:s17+$0x19700] =	vst v0;
	s17 =	smov.u32 s18;
	_ =	sdelay $0x2  }
0x20: {  	s18 =	sshra.s32 s19, $0x2;
	s19 =	sadd.s32 $0x40, s19;
	v0 =	vld.idx.msk [tilespmem:v1+s4+$0x0], $0xffff  }
0x21: {  	v1 =	vld [tilespmem:s18+$0x18700];
	_ =	sdelay $0x6  }
0x22: {  	[tilespmem:s17+$0x19700] =	vst v0  }
0x23: {  	v0 =	vld.idx.msk [tilespmem:v1+s4+$0x0], $0xffff;
	_ =	sdelay $0x1  }
0x24: {  	s16 =	sshll.u32 s16, $0xF  }
0x25: {  	s15 =	sadd.s32 $0x1, s15;
	s16 =	sor.u32 s7, s16  }
0x26: {  	p0 =	sne.s32 s15, $0x34;
	s16 =	sshrl.u32 s16, $0x3  }
.Ltmp1:
0x27: {  	s16 =	sadd.s32 s3, s16;
	[tilespmem:s18+$0x19700] =	vst v0;
	(pc) =	sbr.rel @p0 .LBB2_2-.Ltmp1, $4  }
0x28: {  	[hbm4b:s16+s9] =	stream.strided.scatter [tilespmem:s13], [sflag:$0x1], $0x1000, s10, s9, $0x38;
	[tilespmem:$0x1A700] =	vst v63  }
0x29: {  	_ =	swait.ge [sflag:s11], $0x1000  }
0x2a: {  	[sflag:s11] =	ssyncset.done $0x0  }
0x2b: {  	[sflag:s11] =	ssyncadd.s32 $0xFFFFF000  }
0x2c: {  	s14 =	sadd.s32 $0x1, s14  }
0x2d: {  	p0 =	sne.s32 s14, s8  }
.Ltmp2:
0x2e: {  	_ = 	snop;
	(pc) =	sbr.rel @p0 .LBB2_1-.Ltmp2, $1  }
0x2f: {  	_ =	sdelay $0x3  }
0x30: {  	_ =	sfence.sel $0x180000  }
0x31: {  	[bflag:$0x0] =	sbarrier.arrive $0xFFFF  }
0x32: {  	p0 =	sne.s32 s2, $0x0;
	_ =	strace $0x90000047  }
0x33: {  	s0 =	sadd.s32 @!p0 $0x100000, s0;
	[bflag:$0x2] =	sbarrier.arrive $0xFFFF  }
0x34: {  	[sflag:s0] =	ssyncadd.tile.s32 @!p0 $0x1;
	_ =	shalt  }
.Lfunc_end2:
_tile_overlayer_lowered:
.L_overlay_start_2:
0x35: {  	(tag) =	ssettag $0x2  }
0x36: {  	s0 =	rddreg [dreg:$0x0];
	s2 =	stileid.u32  }
0x37: {  	s1 =	rddreg [dreg:$0x1];
	p0 =	sne.s32 s2, $0x0  }
0x38: {  	s3 =	rddreg [dreg:$0x2];
	[bflag:$0x3] =	sbarrier.arrive $0xFFFF;
	s2 =	simm.s32 @!p0 $0x1C01  }
0x39: {  	[timem:s3], [sflag:s2] =	dma.local @!p0 [hbm:s0], s1  }
0x3a: {  	s0 =	simm.s32 @!p0 $0x1  }
0x3b: {  	_ =	swait.ge @!p0 [sflag:s0], s1  }
0x3c: {  	s1 =	ssub.s32 @!p0 $0x0, s1;
	[sflag:s0] =	ssyncset.done @!p0 $0x0  }
0x3d: {  	[sflag:s0] =	ssyncadd.s32 @!p0 s1  }
0x3e: {  	[bflag:$0x3] =	sbarrier.arrive $0xFFFF  }
0x3f: {  	_ =	shalt  }

</sc_bundles>
